<compile_context>
chip_gen: v7x
topology: tpu7x:2x2x1
jax: 0.10.2.dev20260603
libtpu: 0.0.44.dev20260713+nightly
codegen_flags: <defaults>
</compile_context>

<pallas_src>
import functools

import jax
import jax.numpy as jnp
from jax import lax
from jax.experimental import pallas as pl
from jax.experimental.pallas import tpu as pltpu
from jax.experimental.pallas import tpu_sc as plsc

_N = 8192
_D = 32
_K = 8192
_NT = 256
_NW = 32
_BPW = _N // _NW
_CHUNK = 128
_L = 16


_W = 2048


def _bf16_rtne(v):
    b = lax.bitcast_convert_type(v, jnp.uint32)
    lsb = (b >> jnp.uint32(16)) & jnp.uint32(1)
    rb = (b + jnp.uint32(0x7FFF) + lsb) & jnp.uint32(0xFFFF0000)
    return lax.bitcast_convert_type(rb, jnp.float32)


def _dist_argmin_body(x_ref, e_ref, ind_ref, esq_ref):
    x = x_ref[...]
    e = e_ref[...]

    @pl.when(pl.program_id(0) == 0)
    def _prep():
        esq_ref[...] = jnp.sum(e * e, axis=0, keepdims=True)

    ab = jnp.dot(x, e, preferred_element_type=jnp.float32)
    xsq = jnp.sum(x * x, axis=1, keepdims=True)
    esq = esq_ref[...]
    dist = (xsq - 2.0 * ab) + esq
    m = None
    idx = None
    for w in range(_K // _W):
        sub = lax.slice_in_dim(dist, w * _W, (w + 1) * _W, axis=1)
        mv = jnp.min(sub, axis=1, keepdims=True)
        iw = jnp.argmin(sub, axis=1)[:, None] + w * _W
        mv_r = _bf16_rtne(mv)
        if m is None:
            m, idx = mv_r, iw
        else:
            upd = mv < m
            m = jnp.where(upd, mv_r, m)
            idx = jnp.where(upd, iw, idx)
    ind_ref[...] = idx


def _dist_argmin(inputs, embed):
    return pl.pallas_call(
        _dist_argmin_body,
        grid=(_N // _NT,),
        in_specs=[
            pl.BlockSpec((_NT, _D), lambda i: (i, 0)),
            pl.BlockSpec((_D, _K), lambda i: (0, 0)),
        ],
        out_specs=pl.BlockSpec((_NT, 1), lambda i: (i, 0)),
        out_shape=jax.ShapeDtypeStruct((_N, 1), jnp.int32),
        scratch_shapes=[pltpu.VMEM((1, _K), jnp.float32)],
    )(inputs, embed)


def _gather_hist_body(table_hbm, idx_hbm, zeros_hbm, ones_hbm,
                      out_hbm, counts_hbm,
                      idx_a, idx_b, rows_a, rows_b, ones_v, counts_sp, sem):
    cid = lax.axis_index("c")
    sid = lax.axis_index("s")
    wid = sid * 2 + cid
    base = wid * _BPW
    row0 = wid * 2

    pltpu.sync_copy(idx_hbm.at[row0], idx_a)
    pltpu.sync_copy(idx_hbm.at[row0 + 1], idx_b)
    cpa = pltpu.async_copy(table_hbm.at[idx_a], rows_a, sem)
    cpb = pltpu.async_copy(table_hbm.at[idx_b], rows_b, sem)
    pltpu.sync_copy(ones_hbm, ones_v)
    @pl.when(sid == 0)
    def _zero():
        pltpu.sync_copy(zeros_hbm, counts_sp)

    plsc.subcore_barrier()
    pltpu.sync_copy(ones_v, counts_sp.at[idx_a], add=True)
    pltpu.sync_copy(ones_v, counts_sp.at[idx_b], add=True)
    cpa.wait()
    cpb.wait()
    pltpu.sync_copy(rows_a, out_hbm.at[pl.ds(base, _CHUNK)])
    pltpu.sync_copy(rows_b, out_hbm.at[pl.ds(base + _CHUNK, _CHUNK)])
    plsc.subcore_barrier()

    @pl.when(sid == 0)
    def _flush():
        pltpu.sync_copy(counts_sp, counts_hbm.at[cid])


def _gather_hist(table_t, idx2, zeros_k, ones_c):
    mesh = plsc.VectorSubcoreMesh(core_axis_name="c", subcore_axis_name="s")
    run = functools.partial(
        pl.kernel,
        out_type=[
            jax.ShapeDtypeStruct((_N, _D), jnp.float32),
            jax.ShapeDtypeStruct((2, _K), jnp.float32),
        ],
        mesh=mesh,
        compiler_params=pltpu.CompilerParams(use_tc_tiling_on_sc=False),
        scratch_types=[
            pltpu.VMEM((_CHUNK,), jnp.int32),
            pltpu.VMEM((_CHUNK,), jnp.int32),
            pltpu.VMEM((_CHUNK, _D), jnp.float32),
            pltpu.VMEM((_CHUNK, _D), jnp.float32),
            pltpu.VMEM((_CHUNK,), jnp.float32),
            pltpu.VMEM_SHARED((_K,), jnp.float32),
            pltpu.SemaphoreType.DMA,
        ],
    )(_gather_hist_body)
    return run(table_t, idx2, zeros_k, ones_c)


def _finalize_body(q_ref, x_ref, pc_ref, qout_ref, loss_ref, perp_ref):
    q = q_ref[...]
    x = x_ref[...]
    d = q - x
    qout_ref[...] = x + d
    loss_ref[...] = jnp.sum(d * d, keepdims=True) * (1.0 / (_N * _D))
    counts = jnp.sum(pc_ref[...], axis=0, keepdims=True)
    avg = counts * (1.0 / _N)
    ent = jnp.sum(avg * jnp.log(avg + 1e-10), keepdims=True)
    perp_ref[...] = jnp.exp(-ent)


def _finalize(q_raw, inputs, pcounts):
    return pl.pallas_call(
        _finalize_body,
        out_shape=[
            jax.ShapeDtypeStruct((_N, _D), jnp.float32),
            jax.ShapeDtypeStruct((1, 1), jnp.float32),
            jax.ShapeDtypeStruct((1, 1), jnp.float32),
        ],
    )(q_raw, inputs, pcounts)


def kernel(inputs, embed):
    ind2d = _dist_argmin(inputs, embed)
    ind = ind2d.reshape(_N)
    table_t = embed.T
    idx2 = ind.reshape(_N // _CHUNK, _CHUNK)
    zeros_k = jnp.zeros((_K,), jnp.float32)
    ones_c = jnp.ones((_CHUNK,), jnp.float32)
    q_raw, pcounts = _gather_hist(table_t, idx2, zeros_k, ones_c)
    quantize, loss, perp = _finalize(q_raw, inputs, pcounts)
    return quantize, loss.reshape(()), perp.reshape(()), ind

# --- scband reference (transcript-rebuilt; emitter-appended) ---
"""Pipeline reference for scband-vector-quantizer-27109833573046 (READ-ONLY COPY).

The authoritative reference and input builder live on the scoring server;
editing this copy changes nothing except your own understanding.
"""

import jax, jax.numpy as jnp
import numpy as np

N = 8192
D = 32
K = 8192

def setup_inputs(seed: int = 0) -> dict:
    key = jax.random.key(seed)
    k1, k2 = jax.random.split(key)
    inputs = jax.random.normal(k1, (N, D), dtype=jnp.float32)
    # buffer 'embed' has shape [latent_size, num_embeddings]
    embed = jax.random.normal(k2, (D, K), dtype=jnp.float32)
    return {"inputs": inputs, "embed": embed}

def reference(inputs, embed):
    num_embeddings = embed.shape[1]
    # dist[i, j] = ||inputs_i||^2 - 2 inputs_i . embed_j + ||embed_j||^2
    dist = (jnp.sum(inputs ** 2, axis=1, keepdims=True)
            - 2.0 * (inputs @ embed)
            + jnp.sum(embed ** 2, axis=0, keepdims=True))
    embed_ind = jnp.argmax(-dist, axis=1)
    embed_onehot = jax.nn.one_hot(embed_ind, num_embeddings, dtype=inputs.dtype)
    # F.embedding(embed_ind, embed.T) -> gather rows of embed.T
    quantize = jnp.take(embed.T, embed_ind, axis=0)
    # eval mode: EMA buffer updates (training-only, in-place) are skipped
    loss = jnp.mean((jax.lax.stop_gradient(quantize) - inputs) ** 2)
    quantize = inputs + jax.lax.stop_gradient(quantize - inputs)
    avg_probs = jnp.mean(embed_onehot, axis=0)
    perplexity = jnp.exp(-jnp.sum(avg_probs * jnp.log(avg_probs + 1e-10)))
    return (quantize, loss, perplexity, embed_ind)

if __name__ == "__main__":
    import jax
    _d = setup_inputs()
    print(jax.jit(kernel)(*tuple(_d.values())))

</pallas_src>

<mosaic_0001>
#map = affine_map<(d0, d1) -> (0, 0)>
#map1 = affine_map<(d0, d1) -> (0)>
module attributes {stable_mosaic.version = 14 : i64} {
  func.func @_gather_hist_body(%arg0: i32, %arg1: i32, %arg2: memref<8192x32xf32, #tpu.memory_space<hbm>>, %arg3: memref<64x128xi32, #tpu.memory_space<hbm>>, %arg4: memref<8192xf32, #tpu.memory_space<hbm>>, %arg5: memref<128xf32, #tpu.memory_space<hbm>>, %arg6: memref<8192x32xf32, #tpu.memory_space<hbm>>, %arg7: memref<2x8192xf32, #tpu.memory_space<hbm>>, %arg8: memref<128xi32, #tpu.memory_space<vmem>>, %arg9: memref<128xi32, #tpu.memory_space<vmem>>, %arg10: memref<128x32xf32, #tpu.memory_space<vmem>>, %arg11: memref<128x32xf32, #tpu.memory_space<vmem>>, %arg12: memref<128xf32, #tpu.memory_space<vmem>>, %arg13: memref<8192xf32, #tpu.memory_space<vmem_shared>>, %arg14: memref<!tpu.dma_semaphore, #tpu.memory_space<semaphore_mem>>) attributes {dimension_semantics = [#tpu.dimension_semantics<core_parallel>, #tpu.dimension_semantics<subcore_parallel>], iteration_bounds = array<i64: 2, 16>, scalar_prefetch = 0 : i64, scratch_operands = 7 : i64, tpu.core_type = #tpu.core_type<sc_vector_subcore>, window_params = [{transform_indices = #map}, {transform_indices = #map}, {transform_indices = #map1}, {transform_indices = #map1}, {transform_indices = #map}, {transform_indices = #map}]} {
    %mul3A = arith.constant 2 : i32
    %mul3A_0 = arith.muli %arg1, %mul3A : i32
    %add3A = arith.addi %mul3A_0, %arg0 : i32
    %mul3A_1 = arith.constant 256 : i32
    %mul3A_2 = arith.muli %add3A, %mul3A_1 : i32
    %mul3A_3 = arith.constant 2 : i32
    %mul3A_4 = arith.muli %add3A, %mul3A_3 : i32
    "tpu.region"() ({
      %run_scoped3A = tpu.sem_alloc : memref<!tpu.dma_semaphore, #tpu.memory_space<semaphore_mem>>
      %dma_start3A_27 = arith.constant 0 : i32
      %dma_start3A_28 = tpu.memref_slice %arg3[%mul3A_4, %dma_start3A_27] : memref<64x128xi32, #tpu.memory_space<hbm>> -> memref<1x128xi32, #tpu.memory_space<hbm>>
      %dma_start3A_29 = tpu.memref_squeeze %dma_start3A_28 : memref<1x128xi32, #tpu.memory_space<hbm>> -> memref<128xi32, #tpu.memory_space<hbm>>
      %dma_start3A_30 = arith.constant 0 : i32
      %dma_start3A_31 = tpu.memref_slice %arg3[%mul3A_4, %dma_start3A_30] : memref<64x128xi32, #tpu.memory_space<hbm>> -> memref<1x128xi32, #tpu.memory_space<hbm>>
      %dma_start3A_32 = tpu.memref_squeeze %dma_start3A_31 : memref<1x128xi32, #tpu.memory_space<hbm>> -> memref<128xi32, #tpu.memory_space<hbm>>
      tpu.enqueue_dma source(%dma_start3A_32 : memref<128xi32, #tpu.memory_space<hbm>>) target(%arg8 : memref<128xi32, #tpu.memory_space<vmem>>) target_semaphore(%run_scoped3A : memref<!tpu.dma_semaphore, #tpu.memory_space<semaphore_mem>>)
      %dma_wait3A_33 = arith.constant 0 : i32
      %dma_wait3A_34 = tpu.memref_slice %arg3[%mul3A_4, %dma_wait3A_33] : memref<64x128xi32, #tpu.memory_space<hbm>> -> memref<1x128xi32, #tpu.memory_space<hbm>>
      %dma_wait3A_35 = tpu.memref_squeeze %dma_wait3A_34 : memref<1x128xi32, #tpu.memory_space<hbm>> -> memref<128xi32, #tpu.memory_space<hbm>>
      %dma_wait3A_36 = arith.constant 0 : i32
      %dma_wait3A_37 = tpu.memref_slice %arg3[%mul3A_4, %dma_wait3A_36] : memref<64x128xi32, #tpu.memory_space<hbm>> -> memref<1x128xi32, #tpu.memory_space<hbm>>
      %dma_wait3A_38 = tpu.memref_squeeze %dma_wait3A_37 : memref<1x128xi32, #tpu.memory_space<hbm>> -> memref<128xi32, #tpu.memory_space<hbm>>
      tpu.wait_dma2 semaphore(%run_scoped3A : memref<!tpu.dma_semaphore, #tpu.memory_space<semaphore_mem>>) src(%dma_wait3A_38 : memref<128xi32, #tpu.memory_space<hbm>>) dst(%arg8 : memref<128xi32, #tpu.memory_space<vmem>>)
      tpu.yield
    }) : () -> ()
    %add3A_5 = arith.constant 1 : i32
    %add3A_6 = arith.addi %mul3A_4, %add3A_5 : i32
    "tpu.region"() ({
      %run_scoped3A = tpu.sem_alloc : memref<!tpu.dma_semaphore, #tpu.memory_space<semaphore_mem>>
      %dma_start3A_27 = arith.constant 0 : i32
      %dma_start3A_28 = tpu.memref_slice %arg3[%add3A_6, %dma_start3A_27] : memref<64x128xi32, #tpu.memory_space<hbm>> -> memref<1x128xi32, #tpu.memory_space<hbm>>
      %dma_start3A_29 = tpu.memref_squeeze %dma_start3A_28 : memref<1x128xi32, #tpu.memory_space<hbm>> -> memref<128xi32, #tpu.memory_space<hbm>>
      %dma_start3A_30 = arith.constant 0 : i32
      %dma_start3A_31 = tpu.memref_slice %arg3[%add3A_6, %dma_start3A_30] : memref<64x128xi32, #tpu.memory_space<hbm>> -> memref<1x128xi32, #tpu.memory_space<hbm>>
      %dma_start3A_32 = tpu.memref_squeeze %dma_start3A_31 : memref<1x128xi32, #tpu.memory_space<hbm>> -> memref<128xi32, #tpu.memory_space<hbm>>
      tpu.enqueue_dma source(%dma_start3A_32 : memref<128xi32, #tpu.memory_space<hbm>>) target(%arg9 : memref<128xi32, #tpu.memory_space<vmem>>) target_semaphore(%run_scoped3A : memref<!tpu.dma_semaphore, #tpu.memory_space<semaphore_mem>>)
      %dma_wait3A_33 = arith.constant 0 : i32
      %dma_wait3A_34 = tpu.memref_slice %arg3[%add3A_6, %dma_wait3A_33] : memref<64x128xi32, #tpu.memory_space<hbm>> -> memref<1x128xi32, #tpu.memory_space<hbm>>
      %dma_wait3A_35 = tpu.memref_squeeze %dma_wait3A_34 : memref<1x128xi32, #tpu.memory_space<hbm>> -> memref<128xi32, #tpu.memory_space<hbm>>
      %dma_wait3A_36 = arith.constant 0 : i32
      %dma_wait3A_37 = tpu.memref_slice %arg3[%add3A_6, %dma_wait3A_36] : memref<64x128xi32, #tpu.memory_space<hbm>> -> memref<1x128xi32, #tpu.memory_space<hbm>>
      %dma_wait3A_38 = tpu.memref_squeeze %dma_wait3A_37 : memref<1x128xi32, #tpu.memory_space<hbm>> -> memref<128xi32, #tpu.memory_space<hbm>>
      tpu.wait_dma2 semaphore(%run_scoped3A : memref<!tpu.dma_semaphore, #tpu.memory_space<semaphore_mem>>) src(%dma_wait3A_38 : memref<128xi32, #tpu.memory_space<hbm>>) dst(%arg9 : memref<128xi32, #tpu.memory_space<vmem>>)
      tpu.yield
    }) : () -> ()
    %dma_start3A = arith.constant 0 : i32
    %dma_start3A_7 = arith.constant 0 : i32
    %dma_start3A_8 = tpu.memref_slice %arg2[%dma_start3A, %dma_start3A_7] : memref<8192x32xf32, #tpu.memory_space<hbm>> -> memref<8192x32xf32, #tpu.memory_space<hbm>>
    tpu.enqueue_indirect_dma source(%dma_start3A_8 : memref<8192x32xf32, #tpu.memory_space<hbm>>) target(%arg10 : memref<128x32xf32, #tpu.memory_space<vmem>>) offsets(%arg8 : memref<128xi32, #tpu.memory_space<vmem>>) semaphore(%arg14 : memref<!tpu.dma_semaphore, #tpu.memory_space<semaphore_mem>>)
    %dma_start3A_9 = arith.constant 0 : i32
    %dma_start3A_10 = arith.constant 0 : i32
    %dma_start3A_11 = tpu.memref_slice %arg2[%dma_start3A_9, %dma_start3A_10] : memref<8192x32xf32, #tpu.memory_space<hbm>> -> memref<8192x32xf32, #tpu.memory_space<hbm>>
    tpu.enqueue_indirect_dma source(%dma_start3A_11 : memref<8192x32xf32, #tpu.memory_space<hbm>>) target(%arg11 : memref<128x32xf32, #tpu.memory_space<vmem>>) offsets(%arg9 : memref<128xi32, #tpu.memory_space<vmem>>) semaphore(%arg14 : memref<!tpu.dma_semaphore, #tpu.memory_space<semaphore_mem>>)
    "tpu.region"() ({
      %run_scoped3A = tpu.sem_alloc : memref<!tpu.dma_semaphore, #tpu.memory_space<semaphore_mem>>
      tpu.enqueue_dma source(%arg5 : memref<128xf32, #tpu.memory_space<hbm>>) target(%arg12 : memref<128xf32, #tpu.memory_space<vmem>>) target_semaphore(%run_scoped3A : memref<!tpu.dma_semaphore, #tpu.memory_space<semaphore_mem>>)
      tpu.wait_dma2 semaphore(%run_scoped3A : memref<!tpu.dma_semaphore, #tpu.memory_space<semaphore_mem>>) src(%arg5 : memref<128xf32, #tpu.memory_space<hbm>>) dst(%arg12 : memref<128xf32, #tpu.memory_space<vmem>>)
      tpu.yield
    }) : () -> ()
    %eq3A = arith.constant 0 : i32
    %eq3A_12 = arith.cmpi eq, %arg1, %eq3A : i32
    %convert_element_type3A = arith.extui %eq3A_12 : i1 to i32
    %cond3A = arith.constant 0 : i32
    %cond3A_13 = arith.cmpi ne, %convert_element_type3A, %cond3A : i32
    scf.if %cond3A_13 {
      "tpu.region"() ({
        %run_scoped3A = tpu.sem_alloc : memref<!tpu.dma_semaphore, #tpu.memory_space<semaphore_mem>>
        tpu.enqueue_dma source(%arg4 : memref<8192xf32, #tpu.memory_space<hbm>>) target(%arg13 : memref<8192xf32, #tpu.memory_space<vmem_shared>>) target_semaphore(%run_scoped3A : memref<!tpu.dma_semaphore, #tpu.memory_space<semaphore_mem>>)
        tpu.wait_dma2 semaphore(%run_scoped3A : memref<!tpu.dma_semaphore, #tpu.memory_space<semaphore_mem>>) src(%arg4 : memref<8192xf32, #tpu.memory_space<hbm>>) dst(%arg13 : memref<8192xf32, #tpu.memory_space<vmem_shared>>)
        tpu.yield
      }) : () -> ()
    } else {
    }
    %barrier3A = arith.constant 0 : index
    tpu.barrier barrier_id(%barrier3A)
    "tpu.region"() ({
      %run_scoped3A = tpu.sem_alloc : memref<!tpu.dma_semaphore, #tpu.memory_space<semaphore_mem>>
      %dma_start3A_27 = arith.constant 0 : i32
      %dma_start3A_28 = tpu.memref_slice %arg13[%dma_start3A_27] : memref<8192xf32, #tpu.memory_space<vmem_shared>> -> memref<8192xf32, #tpu.memory_space<vmem_shared>>
      tpu.enqueue_indirect_dma source(%arg12 : memref<128xf32, #tpu.memory_space<vmem>>) target(%dma_start3A_28 : memref<8192xf32, #tpu.memory_space<vmem_shared>>) offsets(%arg8 : memref<128xi32, #tpu.memory_space<vmem>>) semaphore(%run_scoped3A : memref<!tpu.dma_semaphore, #tpu.memory_space<semaphore_mem>>) {add = true}
      %dma_wait3A_29 = arith.constant 0 : i32
      %dma_wait3A_30 = tpu.memref_slice %arg13[%dma_wait3A_29] : memref<8192xf32, #tpu.memory_space<vmem_shared>> -> memref<8192xf32, #tpu.memory_space<vmem_shared>>
      tpu.wait_indirect_dma semaphore(%run_scoped3A : memref<!tpu.dma_semaphore, #tpu.memory_space<semaphore_mem>>) src(%arg12 : memref<128xf32, #tpu.memory_space<vmem>>) dst(%dma_wait3A_30 : memref<8192xf32, #tpu.memory_space<vmem_shared>>)
      tpu.yield
    }) : () -> ()
    "tpu.region"() ({
      %run_scoped3A = tpu.sem_alloc : memref<!tpu.dma_semaphore, #tpu.memory_space<semaphore_mem>>
      %dma_start3A_27 = arith.constant 0 : i32
      %dma_start3A_28 = tpu.memref_slice %arg13[%dma_start3A_27] : memref<8192xf32, #tpu.memory_space<vmem_shared>> -> memref<8192xf32, #tpu.memory_space<vmem_shared>>
      tpu.enqueue_indirect_dma source(%arg12 : memref<128xf32, #tpu.memory_space<vmem>>) target(%dma_start3A_28 : memref<8192xf32, #tpu.memory_space<vmem_shared>>) offsets(%arg9 : memref<128xi32, #tpu.memory_space<vmem>>) semaphore(%run_scoped3A : memref<!tpu.dma_semaphore, #tpu.memory_space<semaphore_mem>>) {add = true}
      %dma_wait3A_29 = arith.constant 0 : i32
      %dma_wait3A_30 = tpu.memref_slice %arg13[%dma_wait3A_29] : memref<8192xf32, #tpu.memory_space<vmem_shared>> -> memref<8192xf32, #tpu.memory_space<vmem_shared>>
      tpu.wait_indirect_dma semaphore(%run_scoped3A : memref<!tpu.dma_semaphore, #tpu.memory_space<semaphore_mem>>) src(%arg12 : memref<128xf32, #tpu.memory_space<vmem>>) dst(%dma_wait3A_30 : memref<8192xf32, #tpu.memory_space<vmem_shared>>)
      tpu.yield
    }) : () -> ()
    %dma_wait3A = arith.constant 0 : i32
    %dma_wait3A_14 = arith.constant 0 : i32
    %dma_wait3A_15 = tpu.memref_slice %arg2[%dma_wait3A, %dma_wait3A_14] : memref<8192x32xf32, #tpu.memory_space<hbm>> -> memref<8192x32xf32, #tpu.memory_space<hbm>>
    tpu.wait_indirect_dma semaphore(%arg14 : memref<!tpu.dma_semaphore, #tpu.memory_space<semaphore_mem>>) src(%dma_wait3A_15 : memref<8192x32xf32, #tpu.memory_space<hbm>>) dst(%arg10 : memref<128x32xf32, #tpu.memory_space<vmem>>)
    %dma_wait3A_16 = arith.constant 0 : i32
    %dma_wait3A_17 = arith.constant 0 : i32
    %dma_wait3A_18 = tpu.memref_slice %arg2[%dma_wait3A_16, %dma_wait3A_17] : memref<8192x32xf32, #tpu.memory_space<hbm>> -> memref<8192x32xf32, #tpu.memory_space<hbm>>
    tpu.wait_indirect_dma semaphore(%arg14 : memref<!tpu.dma_semaphore, #tpu.memory_space<semaphore_mem>>) src(%dma_wait3A_18 : memref<8192x32xf32, #tpu.memory_space<hbm>>) dst(%arg11 : memref<128x32xf32, #tpu.memory_space<vmem>>)
    "tpu.region"() ({
      %run_scoped3A = tpu.sem_alloc : memref<!tpu.dma_semaphore, #tpu.memory_space<semaphore_mem>>
      %dma_start3A_27 = arith.constant 0 : i32
      %dma_start3A_28 = tpu.memref_slice %arg6[%mul3A_2, %dma_start3A_27] : memref<8192x32xf32, #tpu.memory_space<hbm>> -> memref<128x32xf32, #tpu.memory_space<hbm>>
      %dma_start3A_29 = arith.constant 0 : i32
      %dma_start3A_30 = tpu.memref_slice %arg6[%mul3A_2, %dma_start3A_29] : memref<8192x32xf32, #tpu.memory_space<hbm>> -> memref<128x32xf32, #tpu.memory_space<hbm>>
      tpu.enqueue_dma source(%arg10 : memref<128x32xf32, #tpu.memory_space<vmem>>) target(%dma_start3A_30 : memref<128x32xf32, #tpu.memory_space<hbm>>) target_semaphore(%run_scoped3A : memref<!tpu.dma_semaphore, #tpu.memory_space<semaphore_mem>>)
      %dma_wait3A_31 = arith.constant 0 : i32
      %dma_wait3A_32 = tpu.memref_slice %arg6[%mul3A_2, %dma_wait3A_31] : memref<8192x32xf32, #tpu.memory_space<hbm>> -> memref<128x32xf32, #tpu.memory_space<hbm>>
      %dma_wait3A_33 = arith.constant 0 : i32
      %dma_wait3A_34 = tpu.memref_slice %arg6[%mul3A_2, %dma_wait3A_33] : memref<8192x32xf32, #tpu.memory_space<hbm>> -> memref<128x32xf32, #tpu.memory_space<hbm>>
      tpu.wait_dma2 semaphore(%run_scoped3A : memref<!tpu.dma_semaphore, #tpu.memory_space<semaphore_mem>>) src(%arg10 : memref<128x32xf32, #tpu.memory_space<vmem>>) dst(%dma_wait3A_34 : memref<128x32xf32, #tpu.memory_space<hbm>>)
      tpu.yield
    }) : () -> ()
    %add3A_19 = arith.constant 128 : i32
    %add3A_20 = arith.addi %mul3A_2, %add3A_19 : i32
    "tpu.region"() ({
      %run_scoped3A = tpu.sem_alloc : memref<!tpu.dma_semaphore, #tpu.memory_space<semaphore_mem>>
      %dma_start3A_27 = arith.constant 0 : i32
      %dma_start3A_28 = tpu.memref_slice %arg6[%add3A_20, %dma_start3A_27] : memref<8192x32xf32, #tpu.memory_space<hbm>> -> memref<128x32xf32, #tpu.memory_space<hbm>>
      %dma_start3A_29 = arith.constant 0 : i32
      %dma_start3A_30 = tpu.memref_slice %arg6[%add3A_20, %dma_start3A_29] : memref<8192x32xf32, #tpu.memory_space<hbm>> -> memref<128x32xf32, #tpu.memory_space<hbm>>
      tpu.enqueue_dma source(%arg11 : memref<128x32xf32, #tpu.memory_space<vmem>>) target(%dma_start3A_30 : memref<128x32xf32, #tpu.memory_space<hbm>>) target_semaphore(%run_scoped3A : memref<!tpu.dma_semaphore, #tpu.memory_space<semaphore_mem>>)
      %dma_wait3A_31 = arith.constant 0 : i32
      %dma_wait3A_32 = tpu.memref_slice %arg6[%add3A_20, %dma_wait3A_31] : memref<8192x32xf32, #tpu.memory_space<hbm>> -> memref<128x32xf32, #tpu.memory_space<hbm>>
      %dma_wait3A_33 = arith.constant 0 : i32
      %dma_wait3A_34 = tpu.memref_slice %arg6[%add3A_20, %dma_wait3A_33] : memref<8192x32xf32, #tpu.memory_space<hbm>> -> memref<128x32xf32, #tpu.memory_space<hbm>>
      tpu.wait_dma2 semaphore(%run_scoped3A : memref<!tpu.dma_semaphore, #tpu.memory_space<semaphore_mem>>) src(%arg11 : memref<128x32xf32, #tpu.memory_space<vmem>>) dst(%dma_wait3A_34 : memref<128x32xf32, #tpu.memory_space<hbm>>)
      tpu.yield
    }) : () -> ()
    %barrier3A_21 = arith.constant 0 : index
    tpu.barrier barrier_id(%barrier3A_21)
    %eq3A_22 = arith.constant 0 : i32
    %eq3A_23 = arith.cmpi eq, %arg1, %eq3A_22 : i32
    %convert_element_type3A_24 = arith.extui %eq3A_23 : i1 to i32
    %cond3A_25 = arith.constant 0 : i32
    %cond3A_26 = arith.cmpi ne, %convert_element_type3A_24, %cond3A_25 : i32
    scf.if %cond3A_26 {
      "tpu.region"() ({
        %run_scoped3A = tpu.sem_alloc : memref<!tpu.dma_semaphore, #tpu.memory_space<semaphore_mem>>
        %dma_start3A_27 = arith.constant 0 : i32
        %dma_start3A_28 = tpu.memref_slice %arg7[%arg0, %dma_start3A_27] : memref<2x8192xf32, #tpu.memory_space<hbm>> -> memref<1x8192xf32, #tpu.memory_space<hbm>>
        %dma_start3A_29 = tpu.memref_squeeze %dma_start3A_28 : memref<1x8192xf32, #tpu.memory_space<hbm>> -> memref<8192xf32, #tpu.memory_space<hbm>>
        tpu.enqueue_dma source(%arg13 : memref<8192xf32, #tpu.memory_space<vmem_shared>>) target(%dma_start3A_29 : memref<8192xf32, #tpu.memory_space<hbm>>) target_semaphore(%run_scoped3A : memref<!tpu.dma_semaphore, #tpu.memory_space<semaphore_mem>>)
        %dma_wait3A_30 = arith.constant 0 : i32
        %dma_wait3A_31 = tpu.memref_slice %arg7[%arg0, %dma_wait3A_30] : memref<2x8192xf32, #tpu.memory_space<hbm>> -> memref<1x8192xf32, #tpu.memory_space<hbm>>
        %dma_wait3A_32 = tpu.memref_squeeze %dma_wait3A_31 : memref<1x8192xf32, #tpu.memory_space<hbm>> -> memref<8192xf32, #tpu.memory_space<hbm>>
        tpu.wait_dma2 semaphore(%run_scoped3A : memref<!tpu.dma_semaphore, #tpu.memory_space<semaphore_mem>>) src(%arg13 : memref<8192xf32, #tpu.memory_space<vmem_shared>>) dst(%dma_wait3A_32 : memref<8192xf32, #tpu.memory_space<hbm>>)
        tpu.yield
      }) : () -> ()
    } else {
    }
    return
  }
}

module attributes {stable_mosaic.version = 14 : i64} {
  func.func @_dist_argmin_body(%arg0: i32, %arg1: memref<256x32xf32, #tpu.memory_space<vmem>>, %arg2: memref<32x8192xf32, #tpu.memory_space<vmem>>, %arg3: memref<256x1xi32, #tpu.memory_space<vmem>>, %arg4: memref<1x8192xf32, #tpu.memory_space<vmem>>) attributes {dimension_semantics = [#tpu.dimension_semantics<arbitrary>], iteration_bounds = array<i64: 32>, scalar_prefetch = 0 : i64, scratch_operands = 1 : i64, tpu.core_type = #tpu.core_type<tc>, window_params = [{transform_indices = @transform_0, window_bounds = array<i64: 256, 32>}, {pipeline_mode = #tpu.pipeline_mode<synchronous>, transform_indices = @transform_1, window_bounds = array<i64: 32, 8192>}, {transform_indices = @transform_2, window_bounds = array<i64: 256, 1>}]} {
    %get3A = arith.constant 0 : index
    %get3A_0 = arith.constant 0 : index
    %get3A_1 = vector.load %arg1[%get3A, %get3A_0] : memref<256x32xf32, #tpu.memory_space<vmem>>, vector<256x32xf32>
    %get3A_2 = arith.constant 0 : index
    %get3A_3 = arith.constant 0 : index
    %get3A_4 = vector.load %arg2[%get3A_2, %get3A_3] : memref<32x8192xf32, #tpu.memory_space<vmem>>, vector<32x8192xf32>
    %eq3A = arith.constant 0 : i32
    %eq3A_5 = arith.cmpi eq, %arg0, %eq3A : i32
    %convert_element_type3A = arith.extui %eq3A_5 : i1 to i32
    %cond3A = arith.constant 0 : i32
    %cond3A_6 = arith.cmpi ne, %convert_element_type3A, %cond3A : i32
    scf.if %cond3A_6 {
      %mul3A_100 = arith.mulf %get3A_4, %get3A_4 : vector<32x8192xf32>
      %reduce_sum3A_101 = arith.constant dense<0.000000e+00> : vector<8192xf32>
      %reduce_sum3A_102 = vector.multi_reduction <add>, %mul3A_100, %reduce_sum3A_101 [0] : vector<32x8192xf32> to vector<8192xf32>
      %broadcast_in_dim3A_103 = vector.shape_cast %reduce_sum3A_102 : vector<8192xf32> to vector<1x8192xf32>
      %swap3A_104 = arith.constant 0 : index
      %swap3A_105 = arith.constant 0 : index
      %swap3A_106 = vector.load %arg4[%swap3A_104, %swap3A_105] : memref<1x8192xf32, #tpu.memory_space<vmem>>, vector<1x8192xf32>
      tpu.vector_store %arg4[%swap3A_104, %swap3A_105], %broadcast_in_dim3A_103 {strides = array<i32>} : memref<1x8192xf32, #tpu.memory_space<vmem>>, vector<1x8192xf32>,
    } else {
    }
    %dot_general3A = arith.constant dense<0.000000e+00> : vector<256x8192xf32>
    %dot_general3A_7 = tpu.matmul %get3A_1, %get3A_4, %dot_general3A {dimension_numbers = #tpu.dot_dimension_numbers<[1], [0], [0], [1], [0, 0, 1, 1], [], []>, transpose_lhs_hint = false} : vector<256x32xf32>, vector<32x8192xf32>, vector<256x8192xf32> -> vector<256x8192xf32>
    %mul3A = arith.mulf %get3A_1, %get3A_1 : vector<256x32xf32>
    %reduce_sum3A = arith.constant dense<0.000000e+00> : vector<256xf32>
    %reduce_sum3A_8 = vector.multi_reduction <add>, %mul3A, %reduce_sum3A [1] : vector<256x32xf32> to vector<256xf32>
    %broadcast_in_dim3A = vector.shape_cast %reduce_sum3A_8 : vector<256xf32> to vector<256x1xf32>
    %get3A_9 = arith.constant 0 : index
    %get3A_10 = arith.constant 0 : index
    %get3A_11 = vector.load %arg4[%get3A_9, %get3A_10] : memref<1x8192xf32, #tpu.memory_space<vmem>>, vector<1x8192xf32>
    %mul3A_12 = arith.constant 2.000000e+00 : f32
    %mul3A_13 = vector.broadcast %mul3A_12 : f32 to vector<256x8192xf32>
    %mul3A_14 = arith.mulf %mul3A_13, %dot_general3A_7 : vector<256x8192xf32>
    %sub3A = vector.broadcast %broadcast_in_dim3A : vector<256x1xf32> to vector<256x8192xf32>
    %sub3A_15 = arith.subf %sub3A, %mul3A_14 : vector<256x8192xf32>
    %add3A = vector.broadcast %get3A_11 : vector<1x8192xf32> to vector<256x8192xf32>
    %add3A_16 = arith.addf %sub3A_15, %add3A : vector<256x8192xf32>
    %slice3A = vector.extract_strided_slice %add3A_16 {offsets = [0, 0], sizes = [256, 2048], strides = [1, 1]} : vector<256x8192xf32> to vector<256x2048xf32>
    %reduce_min3A = arith.constant dense<0x7F800000> : vector<256xf32>
    %reduce_min3A_17 = vector.multi_reduction <minimumf>, %slice3A, %reduce_min3A [1] : vector<256x2048xf32> to vector<256xf32>
    %broadcast_in_dim3A_18 = vector.shape_cast %reduce_min3A_17 : vector<256xf32> to vector<256x1xf32>
    %argmin3A = tpu.reduce_index %slice3A {axis = 1 : i32, kind = #tpu.reduction_kind<arg_min>} : vector<256x2048xf32> -> vector<256xi32>
    %broadcast_in_dim3A_19 = vector.shape_cast %argmin3A : vector<256xi32> to vector<256x1xi32>
    %add3A_20 = arith.constant 0 : i32
    %add3A_21 = vector.broadcast %add3A_20 : i32 to vector<256x1xi32>
    %add3A_22 = arith.addi %broadcast_in_dim3A_19, %add3A_21 : vector<256x1xi32>
    %bitcast_convert_type3A = tpu.bitcast %broadcast_in_dim3A_18 : vector<256x1xf32> -> vector<256x1xi32>
    %shift_right_logical3A = arith.constant 16 : i32
    %shift_right_logical3A_23 = vector.broadcast %shift_right_logical3A : i32 to vector<256x1xi32>
    %shift_right_logical3A_24 = arith.shrui %bitcast_convert_type3A, %shift_right_logical3A_23 : vector<256x1xi32>
    %and3A = arith.constant 1 : i32
    %and3A_25 = vector.broadcast %and3A : i32 to vector<256x1xi32>
    %and3A_26 = arith.andi %shift_right_logical3A_24, %and3A_25 : vector<256x1xi32>
    %add3A_27 = arith.constant 32767 : i32
    %add3A_28 = vector.broadcast %add3A_27 : i32 to vector<256x1xi32>
    %add3A_29 = arith.addi %bitcast_convert_type3A, %add3A_28 : vector<256x1xi32>
    %add3A_30 = arith.addi %add3A_29, %and3A_26 : vector<256x1xi32>
    %and3A_31 = arith.constant -65536 : i32
    %and3A_32 = vector.broadcast %and3A_31 : i32 to vector<256x1xi32>
    %and3A_33 = arith.andi %add3A_30, %and3A_32 : vector<256x1xi32>
    %bitcast_convert_type3A_34 = tpu.bitcast %and3A_33 : vector<256x1xi32> -> vector<256x1xf32>
    %slice3A_35 = vector.extract_strided_slice %add3A_16 {offsets = [0, 2048], sizes = [256, 2048], strides = [1, 1]} : vector<256x8192xf32> to vector<256x2048xf32>
    %reduce_min3A_36 = arith.constant dense<0x7F800000> : vector<256xf32>
    %reduce_min3A_37 = vector.multi_reduction <minimumf>, %slice3A_35, %reduce_min3A_36 [1] : vector<256x2048xf32> to vector<256xf32>
    %broadcast_in_dim3A_38 = vector.shape_cast %reduce_min3A_37 : vector<256xf32> to vector<256x1xf32>
    %argmin3A_39 = tpu.reduce_index %slice3A_35 {axis = 1 : i32, kind = #tpu.reduction_kind<arg_min>} : vector<256x2048xf32> -> vector<256xi32>
    %broadcast_in_dim3A_40 = vector.shape_cast %argmin3A_39 : vector<256xi32> to vector<256x1xi32>
    %add3A_41 = arith.constant 2048 : i32
    %add3A_42 = vector.broadcast %add3A_41 : i32 to vector<256x1xi32>
    %add3A_43 = arith.addi %broadcast_in_dim3A_40, %add3A_42 : vector<256x1xi32>
    %bitcast_convert_type3A_44 = tpu.bitcast %broadcast_in_dim3A_38 : vector<256x1xf32> -> vector<256x1xi32>
    %shift_right_logical3A_45 = arith.constant 16 : i32
    %shift_right_logical3A_46 = vector.broadcast %shift_right_logical3A_45 : i32 to vector<256x1xi32>
    %shift_right_logical3A_47 = arith.shrui %bitcast_convert_type3A_44, %shift_right_logical3A_46 : vector<256x1xi32>
    %and3A_48 = arith.constant 1 : i32
    %and3A_49 = vector.broadcast %and3A_48 : i32 to vector<256x1xi32>
    %and3A_50 = arith.andi %shift_right_logical3A_47, %and3A_49 : vector<256x1xi32>
    %add3A_51 = arith.constant 32767 : i32
    %add3A_52 = vector.broadcast %add3A_51 : i32 to vector<256x1xi32>
    %add3A_53 = arith.addi %bitcast_convert_type3A_44, %add3A_52 : vector<256x1xi32>
    %add3A_54 = arith.addi %add3A_53, %and3A_50 : vector<256x1xi32>
    %and3A_55 = arith.constant -65536 : i32
    %and3A_56 = vector.broadcast %and3A_55 : i32 to vector<256x1xi32>
    %and3A_57 = arith.andi %add3A_54, %and3A_56 : vector<256x1xi32>
    %bitcast_convert_type3A_58 = tpu.bitcast %and3A_57 : vector<256x1xi32> -> vector<256x1xf32>
    %lt3A = arith.cmpf olt, %broadcast_in_dim3A_38, %bitcast_convert_type3A_34 : vector<256x1xf32>
    %select_n3A = arith.select %lt3A, %bitcast_convert_type3A_58, %bitcast_convert_type3A_34 : vector<256x1xi1>, vector<256x1xf32>
    %select_n3A_59 = arith.select %lt3A, %add3A_43, %add3A_22 : vector<256x1xi1>, vector<256x1xi32>
    %slice3A_60 = vector.extract_strided_slice %add3A_16 {offsets = [0, 4096], sizes = [256, 2048], strides = [1, 1]} : vector<256x8192xf32> to vector<256x2048xf32>
    %reduce_min3A_61 = arith.constant dense<0x7F800000> : vector<256xf32>
    %reduce_min3A_62 = vector.multi_reduction <minimumf>, %slice3A_60, %reduce_min3A_61 [1] : vector<256x2048xf32> to vector<256xf32>
    %broadcast_in_dim3A_63 = vector.shape_cast %reduce_min3A_62 : vector<256xf32> to vector<256x1xf32>
    %argmin3A_64 = tpu.reduce_index %slice3A_60 {axis = 1 : i32, kind = #tpu.reduction_kind<arg_min>} : vector<256x2048xf32> -> vector<256xi32>
    %broadcast_in_dim3A_65 = vector.shape_cast %argmin3A_64 : vector<256xi32> to vector<256x1xi32>
    %add3A_66 = arith.constant 4096 : i32
    %add3A_67 = vector.broadcast %add3A_66 : i32 to vector<256x1xi32>
    %add3A_68 = arith.addi %broadcast_in_dim3A_65, %add3A_67 : vector<256x1xi32>
    %bitcast_convert_type3A_69 = tpu.bitcast %broadcast_in_dim3A_63 : vector<256x1xf32> -> vector<256x1xi32>
    %shift_right_logical3A_70 = arith.constant 16 : i32
    %shift_right_logical3A_71 = vector.broadcast %shift_right_logical3A_70 : i32 to vector<256x1xi32>
    %shift_right_logical3A_72 = arith.shrui %bitcast_convert_type3A_69, %shift_right_logical3A_71 : vector<256x1xi32>
    %and3A_73 = arith.constant 1 : i32
    %and3A_74 = vector.broadcast %and3A_73 : i32 to vector<256x1xi32>
    %and3A_75 = arith.andi %shift_right_logical3A_72, %and3A_74 : vector<256x1xi32>
    %add3A_76 = arith.constant 32767 : i32
    %add3A_77 = vector.broadcast %add3A_76 : i32 to vector<256x1xi32>
    %add3A_78 = arith.addi %bitcast_convert_type3A_69, %add3A_77 : vector<256x1xi32>
    %add3A_79 = arith.addi %add3A_78, %and3A_75 : vector<256x1xi32>
    %and3A_80 = arith.constant -65536 : i32
    %and3A_81 = vector.broadcast %and3A_80 : i32 to vector<256x1xi32>
    %and3A_82 = arith.andi %add3A_79, %and3A_81 : vector<256x1xi32>
    %bitcast_convert_type3A_83 = tpu.bitcast %and3A_82 : vector<256x1xi32> -> vector<256x1xf32>
    %lt3A_84 = arith.cmpf olt, %broadcast_in_dim3A_63, %select_n3A : vector<256x1xf32>
    %select_n3A_85 = arith.select %lt3A_84, %bitcast_convert_type3A_83, %select_n3A : vector<256x1xi1>, vector<256x1xf32>
    %select_n3A_86 = arith.select %lt3A_84, %add3A_68, %select_n3A_59 : vector<256x1xi1>, vector<256x1xi32>
    %slice3A_87 = vector.extract_strided_slice %add3A_16 {offsets = [0, 6144], sizes = [256, 2048], strides = [1, 1]} : vector<256x8192xf32> to vector<256x2048xf32>
    %reduce_min3A_88 = arith.constant dense<0x7F800000> : vector<256xf32>
    %reduce_min3A_89 = vector.multi_reduction <minimumf>, %slice3A_87, %reduce_min3A_88 [1] : vector<256x2048xf32> to vector<256xf32>
    %broadcast_in_dim3A_90 = vector.shape_cast %reduce_min3A_89 : vector<256xf32> to vector<256x1xf32>
    %argmin3A_91 = tpu.reduce_index %slice3A_87 {axis = 1 : i32, kind = #tpu.reduction_kind<arg_min>} : vector<256x2048xf32> -> vector<256xi32>
    %broadcast_in_dim3A_92 = vector.shape_cast %argmin3A_91 : vector<256xi32> to vector<256x1xi32>
    %add3A_93 = arith.constant 6144 : i32
    %add3A_94 = vector.broadcast %add3A_93 : i32 to vector<256x1xi32>
    %add3A_95 = arith.addi %broadcast_in_dim3A_92, %add3A_94 : vector<256x1xi32>
    %lt3A_96 = arith.cmpf olt, %broadcast_in_dim3A_90, %select_n3A_85 : vector<256x1xf32>
    %select_n3A_97 = arith.select %lt3A_96, %add3A_95, %select_n3A_86 : vector<256x1xi1>, vector<256x1xi32>
    %swap3A = arith.constant 0 : index
    %swap3A_98 = arith.constant 0 : index
    %swap3A_99 = vector.load %arg3[%swap3A, %swap3A_98] : memref<256x1xi32, #tpu.memory_space<vmem>>, vector<256x1xi32>
    tpu.vector_store %arg3[%swap3A, %swap3A_98], %select_n3A_97 {strides = array<i32>} : memref<256x1xi32, #tpu.memory_space<vmem>>, vector<256x1xi32>,
    return
  }
  func.func @transform_0(%arg0: i32) -> (i32, i32) {
    %c0_i32 = arith.constant 0 : i32
    %c0_i32_0 = arith.constant 0 : i32
    return %arg0, %c0_i32 : i32, i32
  }
  func.func @transform_1(%arg0: i32) -> (i32, i32) {
    %c0_i32 = arith.constant 0 : i32
    %c0_i32_0 = arith.constant 0 : i32
    %c0_i32_1 = arith.constant 0 : i32
    return %c0_i32, %c0_i32_0 : i32, i32
  }
  func.func @transform_2(%arg0: i32) -> (i32, i32) {
    %c0_i32 = arith.constant 0 : i32
    %c0_i32_0 = arith.constant 0 : i32
    return %arg0, %c0_i32 : i32, i32
  }
}

module attributes {stable_mosaic.version = 14 : i64} {
  func.func @_finalize_body(%arg0: memref<8192x32xf32, #tpu.memory_space<vmem>>, %arg1: memref<8192x32xf32, #tpu.memory_space<vmem>>, %arg2: memref<2x8192xf32, #tpu.memory_space<vmem>>, %arg3: memref<8192x32xf32, #tpu.memory_space<vmem>>, %arg4: memref<1x1xf32, #tpu.memory_space<vmem>>, %arg5: memref<1x1xf32, #tpu.memory_space<vmem>>) attributes {dimension_semantics = [], scalar_prefetch = 0 : i64, scratch_operands = 0 : i64, tpu.core_type = #tpu.core_type<tc>} {
    %get3A = arith.constant 0 : index
    %get3A_0 = arith.constant 0 : index
    %get3A_1 = vector.load %arg0[%get3A, %get3A_0] : memref<8192x32xf32, #tpu.memory_space<vmem>>, vector<8192x32xf32>
    %get3A_2 = arith.constant 0 : index
    %get3A_3 = arith.constant 0 : index
    %get3A_4 = vector.load %arg1[%get3A_2, %get3A_3] : memref<8192x32xf32, #tpu.memory_space<vmem>>, vector<8192x32xf32>
    %sub3A = arith.subf %get3A_1, %get3A_4 : vector<8192x32xf32>
    %add3A = arith.addf %get3A_4, %sub3A : vector<8192x32xf32>
    %swap3A = arith.constant 0 : index
    %swap3A_5 = arith.constant 0 : index
    %swap3A_6 = vector.load %arg3[%swap3A, %swap3A_5] : memref<8192x32xf32, #tpu.memory_space<vmem>>, vector<8192x32xf32>
    tpu.vector_store %arg3[%swap3A, %swap3A_5], %add3A {strides = array<i32>} : memref<8192x32xf32, #tpu.memory_space<vmem>>, vector<8192x32xf32>,
    %mul3A = arith.mulf %sub3A, %sub3A : vector<8192x32xf32>
    %reduce_sum3A = vector.shape_cast %mul3A : vector<8192x32xf32> to vector<1x8192x32xf32>
    %reduce_sum3A_7 = arith.constant dense<0.000000e+00> : vector<1xf32>
    %reduce_sum3A_8 = vector.multi_reduction <add>, %reduce_sum3A, %reduce_sum3A_7 [1, 2] : vector<1x8192x32xf32> to vector<1xf32>
    %reduce_sum3A_9 = vector.shape_cast %reduce_sum3A_8 : vector<1xf32> to vector<1x1x1xf32>
    %reduce_sum3A_10 = vector.extract %reduce_sum3A_9[0, 0, 0] : f32 from vector<1x1x1xf32>
    %broadcast_in_dim3A = vector.broadcast %reduce_sum3A_10 : f32 to vector<1x1xf32>
    %mul3A_11 = arith.constant 3.81469727E-6 : f32
    %mul3A_12 = vector.broadcast %mul3A_11 : f32 to vector<1x1xf32>
    %mul3A_13 = arith.mulf %broadcast_in_dim3A, %mul3A_12 : vector<1x1xf32>
    %swap3A_14 = arith.constant 0 : index
    %swap3A_15 = arith.constant 0 : index
    %swap3A_16 = vector.load %arg4[%swap3A_14, %swap3A_15] : memref<1x1xf32, #tpu.memory_space<vmem>>, vector<1x1xf32>
    tpu.vector_store %arg4[%swap3A_14, %swap3A_15], %mul3A_13 {strides = array<i32>} : memref<1x1xf32, #tpu.memory_space<vmem>>, vector<1x1xf32>,
    %get3A_17 = arith.constant 0 : index
    %get3A_18 = arith.constant 0 : index
    %get3A_19 = vector.load %arg2[%get3A_17, %get3A_18] : memref<2x8192xf32, #tpu.memory_space<vmem>>, vector<2x8192xf32>
    %reduce_sum3A_20 = arith.constant dense<0.000000e+00> : vector<8192xf32>
    %reduce_sum3A_21 = vector.multi_reduction <add>, %get3A_19, %reduce_sum3A_20 [0] : vector<2x8192xf32> to vector<8192xf32>
    %broadcast_in_dim3A_22 = vector.shape_cast %reduce_sum3A_21 : vector<8192xf32> to vector<1x8192xf32>
    %mul3A_23 = arith.constant 1.22070313E-4 : f32
    %mul3A_24 = vector.broadcast %mul3A_23 : f32 to vector<1x8192xf32>
    %mul3A_25 = arith.mulf %broadcast_in_dim3A_22, %mul3A_24 : vector<1x8192xf32>
    %add3A_26 = arith.constant 1.000000e-10 : f32
    %add3A_27 = vector.broadcast %add3A_26 : f32 to vector<1x8192xf32>
    %add3A_28 = arith.addf %mul3A_25, %add3A_27 : vector<1x8192xf32>
    %log3A = math.log %add3A_28 : vector<1x8192xf32>
    %mul3A_29 = arith.mulf %mul3A_25, %log3A : vector<1x8192xf32>
    %reduce_sum3A_30 = vector.shape_cast %mul3A_29 : vector<1x8192xf32> to vector<1x1x8192xf32>
    %reduce_sum3A_31 = arith.constant dense<0.000000e+00> : vector<1xf32>
    %reduce_sum3A_32 = vector.multi_reduction <add>, %reduce_sum3A_30, %reduce_sum3A_31 [1, 2] : vector<1x1x8192xf32> to vector<1xf32>
    %reduce_sum3A_33 = vector.shape_cast %reduce_sum3A_32 : vector<1xf32> to vector<1x1x1xf32>
    %reduce_sum3A_34 = vector.extract %reduce_sum3A_33[0, 0, 0] : f32 from vector<1x1x1xf32>
    %broadcast_in_dim3A_35 = vector.broadcast %reduce_sum3A_34 : f32 to vector<1x1xf32>
    %neg3A = arith.constant 0.000000e+00 : f32
    %neg3A_36 = vector.broadcast %neg3A : f32 to vector<1x1xf32>
    %neg3A_37 = arith.subf %neg3A_36, %broadcast_in_dim3A_35 : vector<1x1xf32>
    %exp3A = math.exp %neg3A_37 : vector<1x1xf32>
    %swap3A_38 = arith.constant 0 : index
    %swap3A_39 = arith.constant 0 : index
    %swap3A_40 = vector.load %arg5[%swap3A_38, %swap3A_39] : memref<1x1xf32, #tpu.memory_space<vmem>>, vector<1x1xf32>
    tpu.vector_store %arg5[%swap3A_38, %swap3A_39], %exp3A {strides = array<i32>} : memref<1x1xf32, #tpu.memory_space<vmem>>, vector<1x1xf32>,
    return
  }
}

</mosaic_0001>

<sc_bundles>
// kernel: kernel.5.cloned.1.call-start
scs
__scs_entry_jumppad:
0x0: {  	(pc) =	sbr.rel $0x88, $3  }
0x1: {  	(tag) =	ssettag $0x0;
	lr =	simm.s32 $0x1  }
0x2: {  	[smem:$0x3F9F] =	sst lr;
	_ =	strace $0xD0000000  }
0x3: {  	_ = 	snop  }
0x4: {  	_ = 	snop  }
0x5: {  	_ = 	snop  }
0x6: {  	_ = 	snop  }
0x7: {  	_ = 	snop  }
__scs_overlays_trampoline_lowered:
0x8: {  	[smem:$0x3FAE] =	sst s0  }
0x9: {  	[smem:$0x3FAF] =	sst s1  }
0xa: {  	[smem:$0x3FB0] =	sst s2  }
0xb: {  	[smem:$0x3FB1] =	sst s3  }
0xc: {  	[smem:$0x3FB2] =	sst s4  }
0xd: {  	[smem:$0x3FB3] =	sst s5  }
0xe: {  	[smem:$0x3FB4] =	sst s6  }
0xf: {  	[smem:$0x3FB5] =	sst s7  }
0x10: {  	[smem:$0x3FB6] =	sst s8  }
0x11: {  	[smem:$0x3FB7] =	sst s9;
	s0 =	simm.s32 @!p0 $0x0  }
0x12: {  	s1 =	sld [smem:$0x3F9D];
	s0 =	simm.s32 @p0 $0x1  }
0x13: {  	[smem:$0x3FB8] =	sst s0;
	s0 =	simm.s32 @!p1 $0x0  }
0x14: {  	s2 =	sld [smem:$0x3F9C];
	s0 =	simm.s32 @p1 $0x1  }
0x15: {  	[smem:$0x3FB9] =	sst s0;
	s0 =	simm.s32 @!p2 $0x0  }
0x16: {  	s3 =	sld [smem:$0x3FDB];
	s0 =	simm.s32 @p2 $0x1  }
0x17: {  	s4 =	simm.s32 $0x1BF5;
	[smem:$0x3FBB] =	sst s0  }
0x18: {  	s0 =	sld [smem:$0x3F9E];
	_ =	swait.ge [sflag:s4], $0x0  }
0x19: {  	s7 =	sld [smem:$0x3F9F]  }
0x1a: {  	s8 =	sadd.s32 $0xFFFFE003, lr  }
0x1b: {  	s9 =	sadd.s32 $0xFFFFFEF7, lr;
	s5 =	simm.s32 $0xFFFFFFFF;
	p2 =	slt.u32 s8, $0xFFFFF086  }
0x1c: {  	p1 =	slt.u32 s9, $0xF7A;
	s5 =	simm.s32 @!p2 $0x0  }
0x1d: {  	s5 =	simm.s32 @p1 $0x1;
	p0 =	seq.s32 s7, s2  }
0x1e: {  	s7 =	smul.u32 @!p0 $0xF7A, s2;
	p2 =	seq.s32 @!p0 s5, $0x0  }
0x1f: {  	s9 =	smul.u32 $0xF7A, s1;
	s8 =	simm.s32 @!p0 $0x1BF5;
	p2 =	por !p2, p0  }
0x20: {  	[sflag:s8] =	ssyncset.s32 @!p0 $0xFFFFF086;
	s6 =	sadd.s32 @!p0 s3, s7;
	s7 =	simm.s32 @!p0 $0x108  }
0x21: {  	s3 =	sadd.s32 s3, s9;
	s6 =	sadd.s32 @!p0 $0x88, s6;
	s7 =	simm.s32 @p2 $0x1082  }
0x22: {  	[simem:s7], [sflag:s8] =	dma.local @!p0 [hbm:s6], $0xF7A  }
0x23: {  	s9 =	sor.u32 $0xD0000000, s2;
	s6 =	simm.s32 $0x108;
	_ =	swait.ge @!p0 [sflag:s8], $0x0  }
0x24: {  	s3 =	sadd.s32 $0x88, s3;
	s6 =	simm.s32 @!p1 $0x1082;
	[sflag:s4] =	ssyncset.s32 $0xFFFFF086  }
0x25: {  	[simem:s6], [sflag:s4] =	dma.local [hbm:s3], $0xF7A  }
0x26: {  	[smem:$0x3F9F] =	sst s1;
	(tag) =	ssettag s2;
	_ =	strace s9  }
0x27: {  	s1 =	sld [smem:$0x3FAF]  }
0x28: {  	s2 =	sld [smem:$0x3FB0]  }
0x29: {  	s4 =	sld [smem:$0x3FB2]  }
0x2a: {  	p0 =	seq.s32 s5, $0x0;
	s5 =	sld [smem:$0x3FB3]  }
0x2b: {  	s6 =	sld [smem:$0x3FB4]  }
0x2c: {  	s7 =	sld [smem:$0x3FB5]  }
0x2d: {  	s3 =	simm.s32 $0x108;
	s8 =	sld [smem:$0x3FB6]  }
0x2e: {  	s3 =	simm.s32 @!p0 $0x1082;
	s9 =	sld [smem:$0x3FB7]  }
0x2f: {  	lr =	sadd.s32 s0, s3;
	s0 =	sld [smem:$0x3FAE]  }
0x30: {  	s3 =	sld [smem:$0x3FB1]  }
0x31: {  	[smem:$0x3FBA] =	sst s10  }
0x32: {  	s10 =	sld [smem:$0x3FB8];
	_ =	sdelay $0x3  }
0x33: {  	p0 =	seq.s32 s10, $0x1;
	s10 =	sld [smem:$0x3FBA];
	_ =	sdelay $0x3  }
0x34: {  	[smem:$0x3FBA] =	sst s10  }
0x35: {  	s10 =	sld [smem:$0x3FB9];
	_ =	sdelay $0x3  }
0x36: {  	p1 =	seq.s32 s10, $0x1;
	s10 =	sld [smem:$0x3FBA];
	_ =	sdelay $0x3  }
0x37: {  	[smem:$0x3FBA] =	sst s10  }
0x38: {  	s10 =	sld [smem:$0x3FBB]  }
0x39: {  	_ = 	snop;
	(pc) =	sbr.ind lr, $3  }
0x3a: {  	_ = 	snop  }
0x3b: {  	_ = 	snop  }
0x3c: {  	p2 =	seq.s32 s10, $0x1;
	s10 =	sld [smem:$0x3FBA]  }
0x3d: {  	_ =	shalt  }
0x3e: {  	_ =	shalt  }
0x3f: {  	_ =	shalt  }
0x40: {  	_ =	shalt  }
0x41: {  	_ =	shalt  }
0x42: {  	_ =	shalt  }
0x43: {  	_ =	shalt  }
0x44: {  	_ =	shalt  }
0x45: {  	_ =	shalt  }
0x46: {  	_ =	shalt  }
0x47: {  	_ =	shalt  }
0x48: {  	_ =	shalt  }
0x49: {  	_ =	shalt  }
0x4a: {  	_ =	shalt  }
0x4b: {  	_ =	shalt  }
0x4c: {  	_ =	shalt  }
0x4d: {  	_ =	shalt  }
0x4e: {  	_ =	shalt  }
0x4f: {  	_ =	shalt  }
0x50: {  	_ =	shalt  }
0x51: {  	_ =	shalt  }
0x52: {  	_ =	shalt  }
0x53: {  	_ =	shalt  }
0x54: {  	_ =	shalt  }
0x55: {  	_ =	shalt  }
0x56: {  	_ =	shalt  }
0x57: {  	_ =	shalt  }
0x58: {  	_ =	shalt  }
0x59: {  	_ =	shalt  }
0x5a: {  	_ =	shalt  }
0x5b: {  	_ =	shalt  }
0x5c: {  	_ =	shalt  }
0x5d: {  	_ =	shalt  }
0x5e: {  	_ =	shalt  }
0x5f: {  	_ =	shalt  }
0x60: {  	_ =	shalt  }
0x61: {  	_ =	shalt  }
0x62: {  	_ =	shalt  }
0x63: {  	_ =	shalt  }
0x64: {  	_ =	shalt  }
0x65: {  	_ =	shalt  }
0x66: {  	_ =	shalt  }
0x67: {  	_ =	shalt  }
0x68: {  	_ =	shalt  }
0x69: {  	_ =	shalt  }
0x6a: {  	_ =	shalt  }
0x6b: {  	_ =	shalt  }
0x6c: {  	_ =	shalt  }
0x6d: {  	_ =	shalt  }
0x6e: {  	_ =	shalt  }
0x6f: {  	_ =	shalt  }
0x70: {  	_ =	shalt  }
0x71: {  	_ =	shalt  }
0x72: {  	_ =	shalt  }
0x73: {  	_ =	shalt  }
0x74: {  	_ =	shalt  }
0x75: {  	_ =	shalt  }
0x76: {  	_ =	shalt  }
0x77: {  	_ =	shalt  }
0x78: {  	_ =	shalt  }
0x79: {  	_ =	shalt  }
0x7a: {  	_ =	shalt  }
0x7b: {  	_ =	shalt  }
0x7c: {  	_ =	shalt  }
0x7d: {  	_ =	shalt  }
0x7e: {  	_ =	shalt  }
0x7f: {  	_ =	shalt  }
0x80: {  	_ =	shalt  }
0x81: {  	_ =	shalt  }
0x82: {  	_ =	shalt  }
0x83: {  	_ =	shalt  }
0x84: {  	_ =	shalt  }
0x85: {  	_ =	shalt  }
0x86: {  	_ =	shalt  }
0x87: {  	_ =	shalt  }
.Lfunc_end0:
.L_simem_size_0:
called_computation_lowered:
.L_overlay_start_0:
0x88: {  	s2 =	sld [smem:$0x3FD9]  }
0x89: {  	s3 =	sld [smem:$0x3FFE];
	_ =	sdelay $0x1  }
0x8a: {  	s1 =	srdreg.scid  }
0x8b: {  	s0 =	sand.u32 $0x1, s1  }
0x8c: {  	s14 =	sshll.u32 s0, $0xA;
	s2 =	sadd.s32 s3, s2  }
0x8d: {  	s2 =	sadd.s32 s2, s14  }
0x8e: {  	[smem:$0x3FC6] =	sst s2  }
0x8f: {  	_ = 	snop  }
0x90: {  	s2 =	sld [smem:$0x3FD0];
	_ =	sdelay $0x2  }
0x91: {  	s15 =	simm.s32 $0xA;
	s4 =	simm.s32 $0x10  }
0x92: {  	[smem:s4], [sflag:s15] =	dma.local [hbm:s2], $0x1  }
0x93: {  	_ =	swait.eq [sflag:s15], $0x1  }
0x94: {  	s16 =	sld [smem:$0x10];
	[sflag:s15] =	ssyncset.done $0x0  }
0x95: {  	s17 =	sld [smem:$0x12];
	[sflag:s15] =	ssyncadd.s32 $0xFFFFFFFF  }
0x96: {  	s18 =	sld [smem:$0x13];
	(tm) =	ssettm $0x1  }
0x97: {  	s5 =	sld [smem:$0x3FFB];
	_ =	sdelay $0x3  }
0x98: {  	_ =	strace s5  }
0x99: {  	s5 =	sld [smem:$0x3FFC];
	_ =	sdelay $0x3  }
0x9a: {  	_ =	strace s5  }
0x9b: {  	s5 =	sld [smem:$0x3FFD];
	_ =	sdelay $0x3  }
0x9c: {  	_ =	strace s5  }
0x9d: {  	_ =	strace $0x8FFFFFFF  }
0x9e: {  	s19 =	sld [smem:$0x3FDB];
	_ =	sdelay $0x1  }
0x9f: {  	s6 =	simm.s32 $_scs_section_size  }
0xa0: {  	s7 =	simm.s32 $_size__tile_overlayer_lowered;
	s8 =	simm.s32 $_tile_overlayer_lowered  }
0xa1: {  	s22 =	simm.s32 $0x1BFF;
	s21 =	sshll.u32 s8, $0x1;
	s5 =	sadd.s32 s6, s19  }
0xa2: {  	s9 =	simm.s32 $0x0;
	s20 =	sshll.u32 s7, $0x1;
	s7 =	sadd.s32 s21, s5  }
0xa3: {  	[timem:s9], [sflag:s22] =	dma.local [hbm:s7], s20  }
0xa4: {  	_ =	swait.ge [sflag:s22], s20  }
0xa5: {  	s6 =	ssub.s32 $0x0, s20;
	[sflag:s22] =	ssyncset.done $0x0  }
0xa6: {  	[sflag:s22] =	ssyncadd.s32 s6;
	_ =	sdelay $0x1  }
0xa7: {  	s23 =	simm.s32 $0x1B8B  }
0xa8: {  	_ =	swait.ge [sflag:s23], $0x1  }
0xa9: {  	[sflag:s23] =	ssyncset.done $0x0  }
0xaa: {  	s25 =	simm.s32 $0x1B8E;
	s24 =	sld [smem:$0x3FFE];
	[sflag:s23] =	ssyncadd.s32 $0xFFFFFFFF  }
0xab: {  	s26 =	simm.s32 $execute0_lowered;
	[smem:$0x3FD2] =	sst s25  }
0xac: {  	s7 =	sshll.u32 s26, $0x1;
	_ =	strace $0x80000046;
	[dreg:$0x1] =	wrdreg $0xFFFFFFFF  }
0xad: {  	s28 =	simm.s32 $_size_execute0_lowered;
	s5 =	sadd.s32 s5, s7;
	[dreg:$0x0] =	wrdreg $0x0  }
0xae: {  	s7 =	sshll.u32 s28, $0x1;
	[dreg:$0x2] =	wrdreg s5  }
0xaf: {  	[dreg:$0x3] =	wrdreg s7  }
0xb0: {  	[dreg:$0x4] =	wrdreg $0xC0  }
0xb1: {  	_ =	task [dreg:s9], $0x5FFFF  }
0xb2: {  	[dreg:$0x1] =	wrdreg $0xFFFFFFFF  }
0xb3: {  	[dreg:$0x0] =	wrdreg $0x60  }
0xb4: {  	[dreg:$0x2] =	wrdreg s16  }
0xb5: {  	[dreg:$0x3] =	wrdreg s18  }
0xb6: {  	[dreg:$0x4] =	wrdreg s24  }
0xb7: {  	[dreg:$0x5] =	wrdreg s17  }
0xb8: {  	[dreg:$0x6] =	wrdreg $0x21800  }
0xb9: {  	[dreg:$0x7] =	wrdreg $0x9  }
0xba: {  	_ =	task.clear_ibuf [dreg:s9], $0x8FFFF;
	_ =	strace $0x90000046  }
0xbb: {  	s29 =	simm.s32 $0x9;
	_ =	strace $0x80000048  }
0xbc: {  	_ =	swait.ge [sflag:s29], $0x1  }
0xbd: {  	[sflag:s29] =	ssyncadd.s32 $0xFFFFFFFF  }
0xbe: {  	_ =	strace $0x90000048  }
0xbf: {  	_ =	sfence  }
0xc0: {  	s30 =	sld [smem:$0x0];
	_ =	sdelay $0x2  }
0xc1: {  	s31 =	sshll.u32 s1, $0xD;
	s1 =	sshrl.u32 s1, $0x2  }
0xc2: {  	s3 =	sand.u32 $0x4000, s31;
	s1 =	sadd.s32 s1, s30  }
0xc3: {  	s0 =	sor.u32 s3, s0;
	s1 =	sshll.u32 s1, $0x11  }
0xc4: {  	s0 =	sor.u32 s1, s0  }
0xc5: {  	s0 =	sadd.s32 $0x8F2B, s0  }
0xc6: {  	[sflag:s0] =	ssyncadd.remote.s32 $0x1  }
0xc7: {  	_ =	sfence.sel $0xFFFF  }
0xc8: {  	[dreg:$0x0] =	wrdreg $0xFFFFFFFF;
	(pc) =	sbr.abs _section_cstart, $3  }
0xc9: {  	[dreg:$0x1] =	wrdreg $0xFFFFFFFF  }
0xca: {  	_ =	task.clear_ibuf [dreg:s9], $0x2FFFF;
	_ =	strace $0x9FFFFFFF  }
0xcb: {  	(tm) =	ssettm $0x7FFFFFFF  }
tec
execute0_lowered:
.L_overlay_start_1:
0x0: {  	(tag) =	ssettag $0x1  }
0x1: {  	s1 =	rddreg [dreg:$0x0]  }
0x2: {  	s5 =	rddreg [dreg:$0x1]  }
0x3: {  	s19 =	rddreg [dreg:$0x2]  }
0x4: {  	s2 =	rddreg [dreg:$0x3]  }
0x5: {  	s0 =	srdreg.scid;
	s12 =	stileid.u32  }
0x6: {  	s3 =	rddreg [dreg:$0x4];
	s20 =	sand.u32 $0x1, s0;
	s6 =	sshll.u32 s12, $0x1  }
0x7: {  	s4 =	simm.s32 $0x0;
	s0 =	rddreg [dreg:$0x5];
	s17 =	sor.u32 s20, s6  }
0x8: {  	[smem:$0x7FF] =	sst s4;
	s6 =	sshll.u32 s17, $0x5  }
0x9: {  	_ =	strace $0x80000047;
	s5 =	sadd.s32 s5, s6;
	s6 =	simm.s32 $0x2  }
0xa: {  	[tilespmem:s4], [sflag:$0x2] =	stream.linear.gather [hbm4b:s5+s4], $0x80, $0x38;
	[tilespmem:$0x2380] =	vst v63  }
0xb: {  	_ =	swait.ge [sflag:s6], $0x80  }
0xc: {  	[sflag:s6] =	ssyncset.done $0x0  }
0xd: {  	s8 =	simm.s32 $0x80;
	s7 =	sadd.s32 $0x10, s5;
	[sflag:s6] =	ssyncadd.s32 $0xFFFFFF80  }
0xe: {  	[tilespmem:s8], [sflag:$0x2] =	stream.linear.gather [hbm4b:s7+s4], $0x80, $0x38;
	[tilespmem:$0x2380] =	vst v63  }
0xf: {  	_ =	swait.ge [sflag:s6], $0x80  }
0x10: {  	[sflag:s6] =	ssyncset.done $0x0  }
0x11: {  	s9 =	simm.s32 $0x100;
	[sflag:s6] =	ssyncadd.s32 $0xFFFFFF80  }
0x12: {  	[tilespmem:s9], [sflag:$0x1] =	stream.indirect.gather [hbm4b:s1+s8], $0x20, s4, s8, $0xb8;
	[tilespmem:$0x2380] =	vst v63  }
0x13: {  	s10 =	simm.s32 $0x1100  }
0x14: {  	[tilespmem:s10], [sflag:$0x1] =	stream.indirect.gather [hbm4b:s1+s8], $0x20, s8, s8, $0xb8;
	[tilespmem:$0x2380] =	vst v63  }
0x15: {  	s11 =	simm.s32 $0x2100  }
0x16: {  	[tilespmem:s11], [sflag:$0x2] =	stream.linear.gather [hbm4b:s2+s4], $0x80, $0x38;
	[tilespmem:$0x2380] =	vst v63  }
0x17: {  	p0 =	sne.s32 s12, $0x0;
	_ =	swait.ge [sflag:s6], $0x80  }
0x18: {  	s12 =	sadd.s32 $0x800, s19;
	s14 =	sshrl.u32 @!p0 s3, $0x3;
	[sflag:s6] =	ssyncset.done $0x0  }
0x19: {  	s15 =	simm.s32 @!p0 $0x1C02;
	s13 =	simm.s32 @!p0 $0x2;
	[sflag:s6] =	ssyncadd.s32 $0xFFFFFF80  }
0x1a: {  	[spmem:s14], [sflag:s15] =	dma.local @!p0 [hbm:s12], $0x400  }
0x1b: {  	_ =	swait.ge @!p0 [sflag:s13], $0x400  }
0x1c: {  	[sflag:s13] =	ssyncset.done @!p0 $0x0  }
0x1d: {  	[sflag:s13] =	ssyncadd.s32 @!p0 $0xFFFFFC00  }
0x1e: {  	[bflag:$0x0] =	sbarrier.arrive $0xFFFF  }
0x1f: {  	[spmem:s3] =	stream.indirect.scatter.add.f32 [tilespmem:s11], [sflag:$0x2], $0x1, s4, s8, $0xb8;
	[tilespmem:$0x2380] =	vst v63  }
0x20: {  	_ =	swait.ge [sflag:s6], $0x80  }
0x21: {  	[sflag:s6] =	ssyncset.done $0x0  }
0x22: {  	[sflag:s6] =	ssyncadd.s32 $0xFFFFFF80  }
0x23: {  	[spmem:s3] =	stream.indirect.scatter.add.f32 [tilespmem:s11], [sflag:$0x2], $0x1, s8, s8, $0xb8;
	[tilespmem:$0x2380] =	vst v63  }
0x24: {  	_ =	swait.ge [sflag:s6], $0x80  }
0x25: {  	[sflag:s6] =	ssyncset.done $0x0  }
0x26: {  	s16 =	simm.s32 $0x1;
	[sflag:s6] =	ssyncadd.s32 $0xFFFFFF80  }
0x27: {  	_ =	swait.ge [sflag:s16], $0x1000  }
0x28: {  	[sflag:s16] =	ssyncset.done $0x0  }
0x29: {  	[sflag:s16] =	ssyncadd.s32 $0xFFFFF000  }
0x2a: {  	s17 =	sshll.u32 s17, $0xA;
	_ =	swait.ge [sflag:s16], $0x1000  }
0x2b: {  	s18 =	sadd.s32 s17, s19;
	[sflag:s16] =	ssyncset.done $0x0  }
0x2c: {  	s21 =	ssub.s32 $0x2, s20;
	s17 =	sadd.s32 $0x1400, s18;
	[sflag:s16] =	ssyncadd.s32 $0xFFFFF000  }
0x2d: {  	[hbm4b:s17+s4] =	stream.linear.scatter [tilespmem:s9], [sflag:$0x2], $0x1000, $0x38;
	[tilespmem:$0x2380] =	vst v63  }
0x2e: {  	s22 =	sshrl.u32 s21, $0x1;
	_ =	swait.ge [sflag:s6], $0x1000  }
0x2f: {  	s20 =	sshll.u32 s20, $0xA;
	s21 =	ssub.s32 s21, s22;
	[sflag:s6] =	ssyncset.done $0x0  }
0x30: {  	s18 =	sadd.s32 $0x1600, s18;
	s31 =	smax.u32 s21, $0x1;
	[sflag:s6] =	ssyncadd.s32 $0xFFFFF000  }
0x31: {  	[hbm4b:s18+s4] =	stream.linear.scatter [tilespmem:s10], [sflag:$0x2], $0x1000, $0x38;
	[tilespmem:$0x2380] =	vst v63  }
0x32: {  	s19 =	sadd.s32 s20, s19;
	s20 =	sadd.s32 $0xFFFFFFFF, s31;
	_ =	swait.ge [sflag:s6], $0x1000  }
0x33: {  	p1 =	sne.s32 s20, $0x0;
	[sflag:s6] =	ssyncset.done $0x0  }
.Ltmp0:
0x34: {  	[sflag:s6] =	ssyncadd.s32 $0xFFFFF000;
	(pc) =	sbr.rel @!p1 .LBB2_2-.Ltmp0, $4  }
0x35: {  	s19 =	sadd.s32 $0xC00, s19;
	[bflag:$0x0] =	sbarrier.arrive $0xFFFF  }
0x36: {  	[hbm:s19], [sflag:s15] =	dma.local @!p0 [spmem:s14], $0x400  }
0x37: {  	_ =	swait.ge @!p0 [sflag:s13], $0x400  }
0x38: {  	[sflag:s13] =	ssyncset.done @!p0 $0x0  }
.LBB2_1:
0x39: {  	s20 =	sadd.s32 $0xFFFFFFFF, s20;
	[sflag:s13] =	ssyncadd.s32 @!p0 $0xFFFFFC00  }
0x3a: {  	[tilespmem:s4], [sflag:$0x2] =	stream.linear.gather [hbm4b:s5+s4], $0x80, $0x38;
	[tilespmem:$0x2380] =	vst v63  }
0x3b: {  	p1 =	sne.s32 s20, $0x0;
	_ =	swait.ge [sflag:s6], $0x80  }
0x3c: {  	[sflag:s6] =	ssyncset.done $0x0  }
0x3d: {  	[sflag:s6] =	ssyncadd.s32 $0xFFFFFF80  }
0x3e: {  	[tilespmem:s8], [sflag:$0x2] =	stream.linear.gather [hbm4b:s7+s4], $0x80, $0x38;
	[tilespmem:$0x2380] =	vst v63  }
0x3f: {  	_ =	swait.ge [sflag:s6], $0x80  }
0x40: {  	[sflag:s6] =	ssyncset.done $0x0  }
0x41: {  	[sflag:s6] =	ssyncadd.s32 $0xFFFFFF80  }
0x42: {  	[tilespmem:s9], [sflag:$0x1] =	stream.indirect.gather [hbm4b:s1+s8], $0x20, s4, s8, $0xb8;
	[tilespmem:$0x2380] =	vst v63  }
0x43: {  	_ = 	snop  }
0x44: {  	[tilespmem:s10], [sflag:$0x1] =	stream.indirect.gather [hbm4b:s1+s8], $0x20, s8, s8, $0xb8;
	[tilespmem:$0x2380] =	vst v63  }
0x45: {  	_ = 	snop  }
0x46: {  	[tilespmem:s11], [sflag:$0x2] =	stream.linear.gather [hbm4b:s2+s4], $0x80, $0x38;
	[tilespmem:$0x2380] =	vst v63  }
0x47: {  	_ =	swait.ge [sflag:s6], $0x80  }
0x48: {  	[sflag:s6] =	ssyncset.done $0x0  }
0x49: {  	[sflag:s6] =	ssyncadd.s32 $0xFFFFFF80  }
0x4a: {  	[spmem:s14], [sflag:s15] =	dma.local @!p0 [hbm:s12], $0x400  }
0x4b: {  	_ =	swait.ge @!p0 [sflag:s13], $0x400  }
0x4c: {  	[sflag:s13] =	ssyncset.done @!p0 $0x0  }
0x4d: {  	[sflag:s13] =	ssyncadd.s32 @!p0 $0xFFFFFC00  }
0x4e: {  	[bflag:$0x0] =	sbarrier.arrive $0xFFFF  }
0x4f: {  	[spmem:s3] =	stream.indirect.scatter.add.f32 [tilespmem:s11], [sflag:$0x2], $0x1, s4, s8, $0xb8;
	[tilespmem:$0x2380] =	vst v63  }
0x50: {  	_ =	swait.ge [sflag:s6], $0x80  }
0x51: {  	[sflag:s6] =	ssyncset.done $0x0  }
0x52: {  	[sflag:s6] =	ssyncadd.s32 $0xFFFFFF80  }
0x53: {  	[spmem:s3] =	stream.indirect.scatter.add.f32 [tilespmem:s11], [sflag:$0x2], $0x1, s8, s8, $0xb8;
	[tilespmem:$0x2380] =	vst v63  }
0x54: {  	_ =	swait.ge [sflag:s6], $0x80  }
0x55: {  	[sflag:s6] =	ssyncset.done $0x0  }
0x56: {  	[sflag:s6] =	ssyncadd.s32 $0xFFFFFF80  }
0x57: {  	_ =	swait.ge [sflag:s16], $0x1000  }
0x58: {  	[sflag:s16] =	ssyncset.done $0x0  }
0x59: {  	[sflag:s16] =	ssyncadd.s32 $0xFFFFF000  }
0x5a: {  	_ =	swait.ge [sflag:s16], $0x1000  }
0x5b: {  	[sflag:s16] =	ssyncset.done $0x0  }
0x5c: {  	[sflag:s16] =	ssyncadd.s32 $0xFFFFF000  }
0x5d: {  	[hbm4b:s17+s4] =	stream.linear.scatter [tilespmem:s9], [sflag:$0x2], $0x1000, $0x38;
	[tilespmem:$0x2380] =	vst v63  }
0x5e: {  	_ =	swait.ge [sflag:s6], $0x1000  }
0x5f: {  	[sflag:s6] =	ssyncset.done $0x0  }
0x60: {  	[sflag:s6] =	ssyncadd.s32 $0xFFFFF000  }
0x61: {  	[hbm4b:s18+s4] =	stream.linear.scatter [tilespmem:s10], [sflag:$0x2], $0x1000, $0x38;
	[tilespmem:$0x2380] =	vst v63  }
0x62: {  	_ =	swait.ge [sflag:s6], $0x1000  }
0x63: {  	[sflag:s6] =	ssyncset.done $0x0  }
.Ltmp1:
0x64: {  	[sflag:s6] =	ssyncadd.s32 $0xFFFFF000;
	(pc) =	sbr.rel @p1 .LBB2_1-.Ltmp1, $4  }
0x65: {  	[bflag:$0x0] =	sbarrier.arrive $0xFFFF  }
0x66: {  	[hbm:s19], [sflag:s15] =	dma.local @!p0 [spmem:s14], $0x400  }
0x67: {  	_ =	swait.ge @!p0 [sflag:s13], $0x400  }
0x68: {  	[sflag:s13] =	ssyncset.done @!p0 $0x0  }
.LBB2_2:
0x69: {  	[sflag:s13] =	ssyncadd.s32 @!p0 $0xFFFFFC00  }
0x6a: {  	_ =	sfence.sel $0x180000  }
0x6b: {  	[bflag:$0x0] =	sbarrier.arrive $0xFFFF  }
0x6c: {  	_ =	strace $0x90000047  }
0x6d: {  	s0 =	sadd.s32 @!p0 $0x100000, s0;
	[bflag:$0x2] =	sbarrier.arrive $0xFFFF  }
0x6e: {  	[sflag:s0] =	ssyncadd.tile.s32 @!p0 $0x1;
	_ =	shalt  }
.Lfunc_end2:
_tile_overlayer_lowered:
.L_overlay_start_2:
0x6f: {  	(tag) =	ssettag $0x2  }
0x70: {  	s0 =	rddreg [dreg:$0x0];
	s2 =	stileid.u32  }
0x71: {  	s1 =	rddreg [dreg:$0x1];
	p0 =	sne.s32 s2, $0x0  }
0x72: {  	s3 =	rddreg [dreg:$0x2];
	[bflag:$0x3] =	sbarrier.arrive $0xFFFF;
	s2 =	simm.s32 @!p0 $0x1C02  }
0x73: {  	[timem:s3], [sflag:s2] =	dma.local @!p0 [hbm:s0], s1  }
0x74: {  	s0 =	simm.s32 @!p0 $0x2  }
0x75: {  	_ =	swait.ge @!p0 [sflag:s0], s1  }
0x76: {  	s1 =	ssub.s32 @!p0 $0x0, s1;
	[sflag:s0] =	ssyncset.done @!p0 $0x0  }
0x77: {  	[sflag:s0] =	ssyncadd.s32 @!p0 s1  }
0x78: {  	[bflag:$0x3] =	sbarrier.arrive $0xFFFF  }
0x79: {  	_ =	shalt  }

</sc_bundles>
